<compile_context>
chip_gen: v7x
topology: tpu7x:2x2x1
jax: 0.10.2.dev20260603
libtpu: 0.0.44.dev20260713+nightly
codegen_flags: <defaults>
</compile_context>

<pallas_src>
import functools

import jax
import jax.numpy as jnp
from jax import lax
from jax.experimental import pallas as pl
from jax.experimental.pallas import tpu as pltpu
from jax.experimental.pallas import tpu_sc as plsc

L = 16


def _sampler_body(nop, rows_per_w, nchunks, nc,
                  flat_hbm, weight_hbm, sv_hbm, out_hbm,
                  wv, svv, idxv, rowsv, sem):
    wid = lax.axis_index("s") * nc + lax.axis_index("c")
    base = wid * rows_per_w

    pltpu.sync_copy(weight_hbm.at[pl.ds(base, rows_per_w)], wv)
    pltpu.sync_copy(sv_hbm.at[pl.ds(base, rows_per_w)], svv)

    lane = jnp.arange(L, dtype=jnp.int32)
    zero_i = jnp.zeros((L,), jnp.int32)

    row_vals = []
    for r in range(rows_per_w):
        b = base + r
        row_vals.append(zero_i)

    vals = row_vals[0]
    for r in range(1, rows_per_w):
        vals = jnp.where(lane == r, row_vals[r], vals)
    plsc.store_scatter(idxv, [jnp.where(lane < rows_per_w, lane, 0)],
                       vals, mask=lane < rows_per_w)

    pltpu.async_copy(flat_hbm.at[idxv], rowsv, sem).wait()
    pltpu.sync_copy(rowsv, out_hbm.at[pl.ds(base, rows_per_w)])


def kernel(inputs, weight):
    B, nop, D = inputs.shape
    sv = jax.random.uniform(jax.random.key(42), (B, 1),
                            dtype=weight.dtype)
    sv = jnp.broadcast_to(sv, (B, L))
    flat = inputs.reshape(B * nop, D)[:8]

    info = plsc.get_sparse_core_info()
    nc, ns = info.num_cores, info.num_subcores
    nw = nc * ns
    rows_per_w = B // nw
    nchunks = nop // L

    mesh = plsc.VectorSubcoreMesh(core_axis_name="c", subcore_axis_name="s")
    k = functools.partial(
        pl.kernel,
        mesh=mesh,
        compiler_params=pltpu.CompilerParams(needs_layout_passes=False,
                                             skip_device_barrier=True),
        out_type=jax.ShapeDtypeStruct((B, D), inputs.dtype),
        scratch_types=[
            pltpu.VMEM((rows_per_w, nop), jnp.float32),
            pltpu.VMEM((rows_per_w, L), jnp.float32),
            pltpu.VMEM((rows_per_w,), jnp.int32),
            pltpu.VMEM((rows_per_w, D), jnp.float32),
            pltpu.SemaphoreType.DMA,
        ],
    )(functools.partial(_sampler_body, nop, rows_per_w, nchunks, nc))
    return k(flat, weight, sv)

# --- scband reference (transcript-rebuilt; emitter-appended) ---
"""Pipeline reference for scband-eff-sampler-22050362098046 (READ-ONLY COPY).

The authoritative reference and input builder live on the scoring server;
editing this copy changes nothing except your own understanding.
"""

import jax, jax.numpy as jnp
import numpy as np


def setup_inputs(seed: int = 0) -> dict:
    key = jax.random.key(seed)
    k1, k2 = jax.random.split(key)
    inputs = jax.random.normal(k1, (64, 256, 1024), dtype=jnp.float32)
    weight = jax.random.uniform(k2, (64, 256), dtype=jnp.float32)
    return {"inputs": inputs, "weight": weight}


def reference(inputs, weight):
    # EffSamplerFunction.forward with dim=-1, add_bdim=False, weight per-batch [B, nop]
    B, nop = inputs.shape[0], inputs.shape[1]
    ics = jnp.cumsum(weight, axis=-1)  # [B, nop]
    # uniform sample value per batch row (torch: weight.new_empty(wsize).uniform_(0,1))
    sv = jax.random.uniform(jax.random.key(42), (B, 1), dtype=weight.dtype)
    mask = jnp.cumsum((ics >= sv).astype(jnp.int32), axis=-1) == 1  # first index where cumsum >= sv
    ind = jnp.argmax(mask, axis=-1)  # [B]
    ind = ind + jnp.arange(0, B * nop, nop, dtype=ind.dtype)
    flat = inputs.reshape(B * nop, -1)
    out = jnp.take(flat, ind, axis=0)
    return out.reshape((B,) + inputs.shape[2:])

if __name__ == "__main__":
    import jax
    _d = setup_inputs()
    print(jax.jit(kernel)(*tuple(_d.values())))

</pallas_src>

<mosaic_0001>
#map = affine_map<(d0, d1) -> (0, 0)>
module attributes {stable_mosaic.version = 14 : i64} {
  func.func @_sampler_body(%arg0: i32, %arg1: i32, %arg2: memref<8x1024xf32, #tpu.memory_space<hbm>>, %arg3: memref<64x256xf32, #tpu.memory_space<hbm>>, %arg4: memref<64x16xf32, #tpu.memory_space<hbm>>, %arg5: memref<64x1024xf32, #tpu.memory_space<hbm>>, %arg6: memref<2x256xf32, #tpu.memory_space<vmem>>, %arg7: memref<2x16xf32, #tpu.memory_space<vmem>>, %arg8: memref<2xi32, #tpu.memory_space<vmem>>, %arg9: memref<2x1024xf32, #tpu.memory_space<vmem>>, %arg10: memref<!tpu.dma_semaphore, #tpu.memory_space<semaphore_mem>>) attributes {dimension_semantics = [#tpu.dimension_semantics<core_parallel>, #tpu.dimension_semantics<subcore_parallel>], iteration_bounds = array<i64: 2, 16>, scalar_prefetch = 0 : i64, scratch_operands = 5 : i64, tpu.core_type = #tpu.core_type<sc_vector_subcore>, window_params = [{transform_indices = #map}, {transform_indices = #map}, {transform_indices = #map}, {transform_indices = #map}]} {
    %mul3A = arith.constant 2 : i32
    %mul3A_0 = arith.muli %arg1, %mul3A : i32
    %add3A = arith.addi %mul3A_0, %arg0 : i32
    %mul3A_1 = arith.constant 2 : i32
    %mul3A_2 = arith.muli %add3A, %mul3A_1 : i32
    "tpu.region"() ({
      %run_scoped3A = tpu.sem_alloc : memref<!tpu.dma_semaphore, #tpu.memory_space<semaphore_mem>>
      %dma_start3A_21 = arith.constant 0 : i32
      %dma_start3A_22 = tpu.memref_slice %arg3[%mul3A_2, %dma_start3A_21] : memref<64x256xf32, #tpu.memory_space<hbm>> -> memref<2x256xf32, #tpu.memory_space<hbm>>
      %dma_start3A_23 = arith.constant 0 : i32
      %dma_start3A_24 = tpu.memref_slice %arg3[%mul3A_2, %dma_start3A_23] : memref<64x256xf32, #tpu.memory_space<hbm>> -> memref<2x256xf32, #tpu.memory_space<hbm>>
      tpu.enqueue_dma source(%dma_start3A_24 : memref<2x256xf32, #tpu.memory_space<hbm>>) target(%arg6 : memref<2x256xf32, #tpu.memory_space<vmem>>) target_semaphore(%run_scoped3A : memref<!tpu.dma_semaphore, #tpu.memory_space<semaphore_mem>>)
      %dma_wait3A_25 = arith.constant 0 : i32
      %dma_wait3A_26 = tpu.memref_slice %arg3[%mul3A_2, %dma_wait3A_25] : memref<64x256xf32, #tpu.memory_space<hbm>> -> memref<2x256xf32, #tpu.memory_space<hbm>>
      %dma_wait3A_27 = arith.constant 0 : i32
      %dma_wait3A_28 = tpu.memref_slice %arg3[%mul3A_2, %dma_wait3A_27] : memref<64x256xf32, #tpu.memory_space<hbm>> -> memref<2x256xf32, #tpu.memory_space<hbm>>
      tpu.wait_dma2 semaphore(%run_scoped3A : memref<!tpu.dma_semaphore, #tpu.memory_space<semaphore_mem>>) src(%dma_wait3A_28 : memref<2x256xf32, #tpu.memory_space<hbm>>) dst(%arg6 : memref<2x256xf32, #tpu.memory_space<vmem>>)
      tpu.yield
    }) : () -> ()
    "tpu.region"() ({
      %run_scoped3A = tpu.sem_alloc : memref<!tpu.dma_semaphore, #tpu.memory_space<semaphore_mem>>
      %dma_start3A_21 = arith.constant 0 : i32
      %dma_start3A_22 = tpu.memref_slice %arg4[%mul3A_2, %dma_start3A_21] : memref<64x16xf32, #tpu.memory_space<hbm>> -> memref<2x16xf32, #tpu.memory_space<hbm>>
      %dma_start3A_23 = arith.constant 0 : i32
      %dma_start3A_24 = tpu.memref_slice %arg4[%mul3A_2, %dma_start3A_23] : memref<64x16xf32, #tpu.memory_space<hbm>> -> memref<2x16xf32, #tpu.memory_space<hbm>>
      tpu.enqueue_dma source(%dma_start3A_24 : memref<2x16xf32, #tpu.memory_space<hbm>>) target(%arg7 : memref<2x16xf32, #tpu.memory_space<vmem>>) target_semaphore(%run_scoped3A : memref<!tpu.dma_semaphore, #tpu.memory_space<semaphore_mem>>)
      %dma_wait3A_25 = arith.constant 0 : i32
      %dma_wait3A_26 = tpu.memref_slice %arg4[%mul3A_2, %dma_wait3A_25] : memref<64x16xf32, #tpu.memory_space<hbm>> -> memref<2x16xf32, #tpu.memory_space<hbm>>
      %dma_wait3A_27 = arith.constant 0 : i32
      %dma_wait3A_28 = tpu.memref_slice %arg4[%mul3A_2, %dma_wait3A_27] : memref<64x16xf32, #tpu.memory_space<hbm>> -> memref<2x16xf32, #tpu.memory_space<hbm>>
      tpu.wait_dma2 semaphore(%run_scoped3A : memref<!tpu.dma_semaphore, #tpu.memory_space<semaphore_mem>>) src(%dma_wait3A_28 : memref<2x16xf32, #tpu.memory_space<hbm>>) dst(%arg7 : memref<2x16xf32, #tpu.memory_space<vmem>>)
      tpu.yield
    }) : () -> ()
    %iota3A = tpu.iota {dimensions = array<i32: 0>} : vector<16xi32>
    %broadcast_in_dim3A = arith.constant 0 : i32
    %broadcast_in_dim3A_3 = vector.broadcast %broadcast_in_dim3A : i32 to vector<16xi32>
    %add3A_4 = arith.constant 0 : i32
    %add3A_5 = arith.addi %mul3A_2, %add3A_4 : i32
    %add3A_6 = arith.constant 1 : i32
    %add3A_7 = arith.addi %mul3A_2, %add3A_6 : i32
    %eq3A = arith.constant 1 : i32
    %eq3A_8 = vector.broadcast %eq3A : i32 to vector<16xi32>
    %eq3A_9 = arith.cmpi eq, %iota3A, %eq3A_8 : vector<16xi32>
    %select_n3A = arith.select %eq3A_9, %broadcast_in_dim3A_3, %broadcast_in_dim3A_3 : vector<16xi1>, vector<16xi32>
    %lt3A = arith.constant 2 : i32
    %lt3A_10 = vector.broadcast %lt3A : i32 to vector<16xi32>
    %lt3A_11 = arith.cmpi slt, %iota3A, %lt3A_10 : vector<16xi32>
    %jit3A = arith.constant 0 : i32
    %broadcast_in_dim3A_12 = vector.broadcast %jit3A : i32 to vector<16xi32>
    %select_n3A_13 = arith.select %lt3A_11, %iota3A, %broadcast_in_dim3A_12 : vector<16xi1>, vector<16xi32>
    %lt3A_14 = arith.constant 2 : i32
    %lt3A_15 = vector.broadcast %lt3A_14 : i32 to vector<16xi32>
    %lt3A_16 = arith.cmpi slt, %iota3A, %lt3A_15 : vector<16xi32>
    tpu.vector_store_idx %arg8[%select_n3A_13], %select_n3A masked %lt3A_16 : memref<2xi32, #tpu.memory_space<vmem>>[vector<16xi32>], vector<16xi32>, vector<16xi1>
    %dma_start3A = arith.constant 0 : i32
    %dma_start3A_17 = arith.constant 0 : i32
    %dma_start3A_18 = tpu.memref_slice %arg2[%dma_start3A, %dma_start3A_17] : memref<8x1024xf32, #tpu.memory_space<hbm>> -> memref<8x1024xf32, #tpu.memory_space<hbm>>
    tpu.enqueue_indirect_dma source(%dma_start3A_18 : memref<8x1024xf32, #tpu.memory_space<hbm>>) target(%arg9 : memref<2x1024xf32, #tpu.memory_space<vmem>>) offsets(%arg8 : memref<2xi32, #tpu.memory_space<vmem>>) semaphore(%arg10 : memref<!tpu.dma_semaphore, #tpu.memory_space<semaphore_mem>>)
    %dma_wait3A = arith.constant 0 : i32
    %dma_wait3A_19 = arith.constant 0 : i32
    %dma_wait3A_20 = tpu.memref_slice %arg2[%dma_wait3A, %dma_wait3A_19] : memref<8x1024xf32, #tpu.memory_space<hbm>> -> memref<8x1024xf32, #tpu.memory_space<hbm>>
    tpu.wait_indirect_dma semaphore(%arg10 : memref<!tpu.dma_semaphore, #tpu.memory_space<semaphore_mem>>) src(%dma_wait3A_20 : memref<8x1024xf32, #tpu.memory_space<hbm>>) dst(%arg9 : memref<2x1024xf32, #tpu.memory_space<vmem>>)
    "tpu.region"() ({
      %run_scoped3A = tpu.sem_alloc : memref<!tpu.dma_semaphore, #tpu.memory_space<semaphore_mem>>
      %dma_start3A_21 = arith.constant 0 : i32
      %dma_start3A_22 = tpu.memref_slice %arg5[%mul3A_2, %dma_start3A_21] : memref<64x1024xf32, #tpu.memory_space<hbm>> -> memref<2x1024xf32, #tpu.memory_space<hbm>>
      %dma_start3A_23 = arith.constant 0 : i32
      %dma_start3A_24 = tpu.memref_slice %arg5[%mul3A_2, %dma_start3A_23] : memref<64x1024xf32, #tpu.memory_space<hbm>> -> memref<2x1024xf32, #tpu.memory_space<hbm>>
      tpu.enqueue_dma source(%arg9 : memref<2x1024xf32, #tpu.memory_space<vmem>>) target(%dma_start3A_24 : memref<2x1024xf32, #tpu.memory_space<hbm>>) target_semaphore(%run_scoped3A : memref<!tpu.dma_semaphore, #tpu.memory_space<semaphore_mem>>)
      %dma_wait3A_25 = arith.constant 0 : i32
      %dma_wait3A_26 = tpu.memref_slice %arg5[%mul3A_2, %dma_wait3A_25] : memref<64x1024xf32, #tpu.memory_space<hbm>> -> memref<2x1024xf32, #tpu.memory_space<hbm>>
      %dma_wait3A_27 = arith.constant 0 : i32
      %dma_wait3A_28 = tpu.memref_slice %arg5[%mul3A_2, %dma_wait3A_27] : memref<64x1024xf32, #tpu.memory_space<hbm>> -> memref<2x1024xf32, #tpu.memory_space<hbm>>
      tpu.wait_dma2 semaphore(%run_scoped3A : memref<!tpu.dma_semaphore, #tpu.memory_space<semaphore_mem>>) src(%arg9 : memref<2x1024xf32, #tpu.memory_space<vmem>>) dst(%dma_wait3A_28 : memref<2x1024xf32, #tpu.memory_space<hbm>>)
      tpu.yield
    }) : () -> ()
    return
  }
}

</mosaic_0001>

<sc_bundles>
// kernel: kernel.3.cloned.1.call-start
scs
__scs_entry_jumppad:
0x0: {  	(pc) =	sbr.rel $0x88, $3  }
0x1: {  	(tag) =	ssettag $0x0;
	lr =	simm.s32 $0x1  }
0x2: {  	[smem:$0x3F9F] =	sst lr;
	_ =	strace $0xD0000000  }
0x3: {  	_ = 	snop  }
0x4: {  	_ = 	snop  }
0x5: {  	_ = 	snop  }
0x6: {  	_ = 	snop  }
0x7: {  	_ = 	snop  }
__scs_overlays_trampoline_lowered:
0x8: {  	[smem:$0x3FAE] =	sst s0  }
0x9: {  	[smem:$0x3FAF] =	sst s1  }
0xa: {  	[smem:$0x3FB0] =	sst s2  }
0xb: {  	[smem:$0x3FB1] =	sst s3  }
0xc: {  	[smem:$0x3FB2] =	sst s4  }
0xd: {  	[smem:$0x3FB3] =	sst s5  }
0xe: {  	[smem:$0x3FB4] =	sst s6  }
0xf: {  	[smem:$0x3FB5] =	sst s7  }
0x10: {  	[smem:$0x3FB6] =	sst s8  }
0x11: {  	[smem:$0x3FB7] =	sst s9;
	s0 =	simm.s32 @!p0 $0x0  }
0x12: {  	s1 =	sld [smem:$0x3F9D];
	s0 =	simm.s32 @p0 $0x1  }
0x13: {  	[smem:$0x3FB8] =	sst s0;
	s0 =	simm.s32 @!p1 $0x0  }
0x14: {  	s2 =	sld [smem:$0x3F9C];
	s0 =	simm.s32 @p1 $0x1  }
0x15: {  	[smem:$0x3FB9] =	sst s0;
	s0 =	simm.s32 @!p2 $0x0  }
0x16: {  	s3 =	sld [smem:$0x3FDB];
	s0 =	simm.s32 @p2 $0x1  }
0x17: {  	s4 =	simm.s32 $0x1BF5;
	[smem:$0x3FBB] =	sst s0  }
0x18: {  	s0 =	sld [smem:$0x3F9E];
	_ =	swait.ge [sflag:s4], $0x0  }
0x19: {  	s7 =	sld [smem:$0x3F9F]  }
0x1a: {  	s8 =	sadd.s32 $0xFFFFE003, lr  }
0x1b: {  	s9 =	sadd.s32 $0xFFFFFEF7, lr;
	s5 =	simm.s32 $0xFFFFFFFF;
	p2 =	slt.u32 s8, $0xFFFFF086  }
0x1c: {  	p1 =	slt.u32 s9, $0xF7A;
	s5 =	simm.s32 @!p2 $0x0  }
0x1d: {  	s5 =	simm.s32 @p1 $0x1;
	p0 =	seq.s32 s7, s2  }
0x1e: {  	s7 =	smul.u32 @!p0 $0xF7A, s2;
	p2 =	seq.s32 @!p0 s5, $0x0  }
0x1f: {  	s9 =	smul.u32 $0xF7A, s1;
	s8 =	simm.s32 @!p0 $0x1BF5;
	p2 =	por !p2, p0  }
0x20: {  	[sflag:s8] =	ssyncset.s32 @!p0 $0xFFFFF086;
	s6 =	sadd.s32 @!p0 s3, s7;
	s7 =	simm.s32 @!p0 $0x108  }
0x21: {  	s3 =	sadd.s32 s3, s9;
	s6 =	sadd.s32 @!p0 $0x88, s6;
	s7 =	simm.s32 @p2 $0x1082  }
0x22: {  	[simem:s7], [sflag:s8] =	dma.local @!p0 [hbm:s6], $0xF7A  }
0x23: {  	s9 =	sor.u32 $0xD0000000, s2;
	s6 =	simm.s32 $0x108;
	_ =	swait.ge @!p0 [sflag:s8], $0x0  }
0x24: {  	s3 =	sadd.s32 $0x88, s3;
	s6 =	simm.s32 @!p1 $0x1082;
	[sflag:s4] =	ssyncset.s32 $0xFFFFF086  }
0x25: {  	[simem:s6], [sflag:s4] =	dma.local [hbm:s3], $0xF7A  }
0x26: {  	[smem:$0x3F9F] =	sst s1;
	(tag) =	ssettag s2;
	_ =	strace s9  }
0x27: {  	s1 =	sld [smem:$0x3FAF]  }
0x28: {  	s2 =	sld [smem:$0x3FB0]  }
0x29: {  	s4 =	sld [smem:$0x3FB2]  }
0x2a: {  	p0 =	seq.s32 s5, $0x0;
	s5 =	sld [smem:$0x3FB3]  }
0x2b: {  	s6 =	sld [smem:$0x3FB4]  }
0x2c: {  	s7 =	sld [smem:$0x3FB5]  }
0x2d: {  	s3 =	simm.s32 $0x108;
	s8 =	sld [smem:$0x3FB6]  }
0x2e: {  	s3 =	simm.s32 @!p0 $0x1082;
	s9 =	sld [smem:$0x3FB7]  }
0x2f: {  	lr =	sadd.s32 s0, s3;
	s0 =	sld [smem:$0x3FAE]  }
0x30: {  	s3 =	sld [smem:$0x3FB1]  }
0x31: {  	[smem:$0x3FBA] =	sst s10  }
0x32: {  	s10 =	sld [smem:$0x3FB8];
	_ =	sdelay $0x3  }
0x33: {  	p0 =	seq.s32 s10, $0x1;
	s10 =	sld [smem:$0x3FBA];
	_ =	sdelay $0x3  }
0x34: {  	[smem:$0x3FBA] =	sst s10  }
0x35: {  	s10 =	sld [smem:$0x3FB9];
	_ =	sdelay $0x3  }
0x36: {  	p1 =	seq.s32 s10, $0x1;
	s10 =	sld [smem:$0x3FBA];
	_ =	sdelay $0x3  }
0x37: {  	[smem:$0x3FBA] =	sst s10  }
0x38: {  	s10 =	sld [smem:$0x3FBB]  }
0x39: {  	_ = 	snop;
	(pc) =	sbr.ind lr, $3  }
0x3a: {  	_ = 	snop  }
0x3b: {  	_ = 	snop  }
0x3c: {  	p2 =	seq.s32 s10, $0x1;
	s10 =	sld [smem:$0x3FBA]  }
0x3d: {  	_ =	shalt  }
0x3e: {  	_ =	shalt  }
0x3f: {  	_ =	shalt  }
0x40: {  	_ =	shalt  }
0x41: {  	_ =	shalt  }
0x42: {  	_ =	shalt  }
0x43: {  	_ =	shalt  }
0x44: {  	_ =	shalt  }
0x45: {  	_ =	shalt  }
0x46: {  	_ =	shalt  }
0x47: {  	_ =	shalt  }
0x48: {  	_ =	shalt  }
0x49: {  	_ =	shalt  }
0x4a: {  	_ =	shalt  }
0x4b: {  	_ =	shalt  }
0x4c: {  	_ =	shalt  }
0x4d: {  	_ =	shalt  }
0x4e: {  	_ =	shalt  }
0x4f: {  	_ =	shalt  }
0x50: {  	_ =	shalt  }
0x51: {  	_ =	shalt  }
0x52: {  	_ =	shalt  }
0x53: {  	_ =	shalt  }
0x54: {  	_ =	shalt  }
0x55: {  	_ =	shalt  }
0x56: {  	_ =	shalt  }
0x57: {  	_ =	shalt  }
0x58: {  	_ =	shalt  }
0x59: {  	_ =	shalt  }
0x5a: {  	_ =	shalt  }
0x5b: {  	_ =	shalt  }
0x5c: {  	_ =	shalt  }
0x5d: {  	_ =	shalt  }
0x5e: {  	_ =	shalt  }
0x5f: {  	_ =	shalt  }
0x60: {  	_ =	shalt  }
0x61: {  	_ =	shalt  }
0x62: {  	_ =	shalt  }
0x63: {  	_ =	shalt  }
0x64: {  	_ =	shalt  }
0x65: {  	_ =	shalt  }
0x66: {  	_ =	shalt  }
0x67: {  	_ =	shalt  }
0x68: {  	_ =	shalt  }
0x69: {  	_ =	shalt  }
0x6a: {  	_ =	shalt  }
0x6b: {  	_ =	shalt  }
0x6c: {  	_ =	shalt  }
0x6d: {  	_ =	shalt  }
0x6e: {  	_ =	shalt  }
0x6f: {  	_ =	shalt  }
0x70: {  	_ =	shalt  }
0x71: {  	_ =	shalt  }
0x72: {  	_ =	shalt  }
0x73: {  	_ =	shalt  }
0x74: {  	_ =	shalt  }
0x75: {  	_ =	shalt  }
0x76: {  	_ =	shalt  }
0x77: {  	_ =	shalt  }
0x78: {  	_ =	shalt  }
0x79: {  	_ =	shalt  }
0x7a: {  	_ =	shalt  }
0x7b: {  	_ =	shalt  }
0x7c: {  	_ =	shalt  }
0x7d: {  	_ =	shalt  }
0x7e: {  	_ =	shalt  }
0x7f: {  	_ =	shalt  }
0x80: {  	_ =	shalt  }
0x81: {  	_ =	shalt  }
0x82: {  	_ =	shalt  }
0x83: {  	_ =	shalt  }
0x84: {  	_ =	shalt  }
0x85: {  	_ =	shalt  }
0x86: {  	_ =	shalt  }
0x87: {  	_ =	shalt  }
.Lfunc_end0:
.L_simem_size_0:
called_computation_lowered:
.L_overlay_start_0:
0x88: {  	s2 =	sld [smem:$0x3FD9]  }
0x89: {  	s3 =	sld [smem:$0x3FFE];
	_ =	sdelay $0x1  }
0x8a: {  	s1 =	srdreg.scid  }
0x8b: {  	s0 =	sand.u32 $0x1, s1  }
0x8c: {  	s17 =	sshll.u32 s0, $0xA;
	s2 =	sadd.s32 s3, s2  }
0x8d: {  	s2 =	sadd.s32 s2, s17  }
0x8e: {  	[smem:$0x3FC6] =	sst s2  }
0x8f: {  	_ = 	snop  }
0x90: {  	s2 =	sld [smem:$0x3FC8]  }
0x91: {  	s18 =	sld [smem:$0x3FD0];
	(tm) =	ssettm $0x1  }
0x92: {  	s4 =	sld [smem:$0x3FFB];
	_ =	sdelay $0x3  }
0x93: {  	_ =	strace s4  }
0x94: {  	s4 =	sld [smem:$0x3FFC];
	_ =	sdelay $0x3  }
0x95: {  	_ =	strace s4  }
0x96: {  	s4 =	sld [smem:$0x3FFD];
	_ =	sdelay $0x3  }
0x97: {  	_ =	strace s4  }
0x98: {  	_ =	strace $0x8FFFFFFF  }
0x99: {  	s19 =	sld [smem:$0x3FDB];
	_ =	sdelay $0x1  }
0x9a: {  	s5 =	simm.s32 $_scs_section_size  }
0x9b: {  	s6 =	simm.s32 $_size__tile_overlayer_lowered;
	s7 =	simm.s32 $_tile_overlayer_lowered  }
0x9c: {  	s22 =	simm.s32 $0x1BFF;
	s21 =	sshll.u32 s7, $0x1;
	s4 =	sadd.s32 s5, s19  }
0x9d: {  	s8 =	simm.s32 $0x0;
	s20 =	sshll.u32 s6, $0x1;
	s6 =	sadd.s32 s21, s4  }
0x9e: {  	[timem:s8], [sflag:s22] =	dma.local [hbm:s6], s20  }
0x9f: {  	_ =	swait.ge [sflag:s22], s20  }
0xa0: {  	s5 =	ssub.s32 $0x0, s20;
	[sflag:s22] =	ssyncset.done $0x0  }
0xa1: {  	[sflag:s22] =	ssyncadd.s32 s5;
	_ =	sdelay $0x1  }
0xa2: {  	s23 =	simm.s32 $0x1B8B  }
0xa3: {  	_ =	swait.ge [sflag:s23], $0x1  }
0xa4: {  	[sflag:s23] =	ssyncset.done $0x0  }
0xa5: {  	s25 =	simm.s32 $0x1B8E;
	s24 =	sld [smem:$0x3FFE];
	[sflag:s23] =	ssyncadd.s32 $0xFFFFFFFF  }
0xa6: {  	s26 =	simm.s32 $execute0_lowered;
	[smem:$0x3FD2] =	sst s25  }
0xa7: {  	s6 =	sshll.u32 s26, $0x1;
	_ =	strace $0x80000046;
	[dreg:$0x1] =	wrdreg $0xFFFFFFFF  }
0xa8: {  	s28 =	simm.s32 $_size_execute0_lowered;
	s4 =	sadd.s32 s4, s6;
	[dreg:$0x0] =	wrdreg $0x0  }
0xa9: {  	s6 =	sshll.u32 s28, $0x1;
	[dreg:$0x2] =	wrdreg s4  }
0xaa: {  	[dreg:$0x3] =	wrdreg s6  }
0xab: {  	[dreg:$0x4] =	wrdreg $0xC0  }
0xac: {  	_ =	task [dreg:s8], $0x5FFFF  }
0xad: {  	[dreg:$0x1] =	wrdreg $0xFFFFFFFF  }
0xae: {  	[dreg:$0x0] =	wrdreg $0x60  }
0xaf: {  	[dreg:$0x2] =	wrdreg s24  }
0xb0: {  	[dreg:$0x3] =	wrdreg s2  }
0xb1: {  	[dreg:$0x4] =	wrdreg s18  }
0xb2: {  	[dreg:$0x5] =	wrdreg $0x9  }
0xb3: {  	_ =	task.clear_ibuf [dreg:s8], $0x6FFFF;
	_ =	strace $0x90000046  }
0xb4: {  	s29 =	simm.s32 $0x9;
	_ =	strace $0x80000048  }
0xb5: {  	_ =	swait.ge [sflag:s29], $0x1  }
0xb6: {  	[sflag:s29] =	ssyncadd.s32 $0xFFFFFFFF  }
0xb7: {  	_ =	strace $0x90000048  }
0xb8: {  	_ =	sfence  }
0xb9: {  	s30 =	sld [smem:$0x0];
	_ =	sdelay $0x2  }
0xba: {  	s31 =	sshll.u32 s1, $0xD;
	s1 =	sshrl.u32 s1, $0x2  }
0xbb: {  	s3 =	sand.u32 $0x4000, s31;
	s1 =	sadd.s32 s1, s30  }
0xbc: {  	s0 =	sor.u32 s3, s0;
	s1 =	sshll.u32 s1, $0x11  }
0xbd: {  	s0 =	sor.u32 s1, s0  }
0xbe: {  	s0 =	sadd.s32 $0x8F2B, s0  }
0xbf: {  	[sflag:s0] =	ssyncadd.remote.s32 $0x1  }
0xc0: {  	_ =	sfence.sel $0xFFFF  }
0xc1: {  	[dreg:$0x0] =	wrdreg $0xFFFFFFFF;
	(pc) =	sbr.abs _section_cstart, $3  }
0xc2: {  	[dreg:$0x1] =	wrdreg $0xFFFFFFFF  }
0xc3: {  	_ =	task.clear_ibuf [dreg:s8], $0x2FFFF;
	_ =	strace $0x9FFFFFFF  }
0xc4: {  	(tm) =	ssettm $0x7FFFFFFF  }
0xc5: {  	_ =	shalt  }
tec
execute0_lowered:
.L_overlay_start_1:
0x0: {  	(tag) =	ssettag $0x1  }
0x1: {  	s10 =	rddreg [dreg:$0x0]  }
0x2: {  	s1 =	srdreg.scid;
	s3 =	rddreg [dreg:$0x1]  }
0x3: {  	s0 =	stileid.u32;
	s13 =	rddreg [dreg:$0x2];
	s6 =	simm.s32 $0x400  }
0x4: {  	s11 =	sand.u32 $0x1, s1;
	s29 =	sshll.u32 s0, $0x9;
	s12 =	sshrl.u32 s0, $0x1  }
0x5: {  	s2 =	sshll.u32 s11, $0x8;
	s1 =	sand.u32 $0x200, s29;
	s4 =	sshll.u32 s12, $0xB  }
0x6: {  	s14 =	sor.u32 s2, s1;
	s1 =	rddreg [dreg:$0x3];
	s2 =	simm.s32 $0x0  }
0x7: {  	s5 =	sshll.u32 s12, $0xA;
	s4 =	sor.u32 s4, s14;
	[smem:$0x7FF] =	sst s2  }
0x8: {  	s7 =	sor.u32 s5, s14;
	s5 =	simm.s32 $0x2;
	s4 =	sshrl.u32 s4, $0x3  }
0x9: {  	_ =	strace $0x80000047;
	s3 =	sadd.s32 s3, s4;
	s4 =	simm.s32 $0x100  }
0xa: {  	[tilespmem:s2], [sflag:$0x2] =	stream.strided.gather [hbm4b:s3+s4], $0x200, s6, s4, $0x38;
	[tilespmem:$0xB80] =	vst v63  }
0xb: {  	s7 =	sshrl.u32 s7, $0x3;
	_ =	swait.ge [sflag:s5], $0x200  }
0xc: {  	v0 =	vimm.s32 $0x0;
	vm0 =	vcmask $0x704;
	s7 =	sadd.s32 s7, s10;
	[sflag:s5] =	ssyncset.done $0x0  }
0xd: {  	s8 =	simm.s32 $0x200;
	v1 =	vsel vm0, $0x1, v0;
	s7 =	sadd.s32 $0x800, s7;
	[sflag:s5] =	ssyncadd.s32 $0xFFFFFE00  }
0xe: {  	[tilespmem:s8], [sflag:$0x2] =	stream.linear.gather [hbm4b:s7+s2], $0x100, $0x38;
	[tilespmem:$0xB80] =	vst v63  }
0xf: {  	_ =	swait.ge [sflag:s5], $0x100  }
0x10: {  	[sflag:s5] =	ssyncset.done $0x0  }
0x11: {  	s9 =	simm.s32 $0x300;
	[sflag:s5] =	ssyncadd.s32 $0xFFFFFF00  }
0x12: {  	[tilespmem:v1+s9+$0x0] =	vst.idx.msk $0x3, v0  }
0x13: {  	v2 =	vld.msk [tilespmem:$0x300], $0x3;
	_ =	sdelay $0x4  }
0x14: {  	v3 =	vshll.u32 v2, $0x3  }
0x15: {  	v4 =	vlaneseq.u32;
	v5 =	vand.u32 $0x7, v2;
	v3 =	vand.u32 $0xFFFFFFC0, v3  }
0x16: {  	v2 =	vand.u32 $0x1, v4;
	v4 =	vshrl.u32 v4, $0x1;
	v5 =	vor.u32 v5, v3  }
0x17: {  	v3 =	vmul.u32 $0x8, v4;
	v4 =	vperm.xlane v5, v2;
	_ =	sdelay $0x1  }
0x18: {  	v4 =	vadd.s32 v3, v4  }
0x19: {  	s15 =	ssub.s32 $0x2, s11  }
0x1a: {  	s30 =	sshrl.u32 s15, $0x1  }
0x1b: {  	s16 =	sshll.u32 s12, $0xD;
	s11 =	simm.s32 $0x380;
	s15 =	ssub.s32 s15, s30  }
0x1c: {  	vm0 =	vmmov $0xffff;
	s12 =	simm.s32 $0x1;
	s31 =	smax.u32 s15, $0x1;
	s10 =	sadd.s32 $0x400, s10  }
0x1d: {  	[tilespmem:s11], [sflag:$0x1] =	stream.indirect_vreg.gather [hbm4b:s10+s2], $0x80, v4, vm0, $0xb8;
	[tilespmem:$0xB80] =	vst v63  }
0x1e: {  	s14 =	sor.u32 s16, s14;
	p0 =	sne.s32 s31, $0x1;
	_ =	swait.ge [sflag:s12], $0x800  }
.Ltmp0:
0x1f: {  	s14 =	sshrl.u32 s14, $0x3;
	[sflag:s12] =	ssyncset.done $0x0;
	(pc) =	sbr.rel @!p0 .LBB2_2-.Ltmp0, $4  }
0x20: {  	s13 =	sadd.s32 s13, s14;
	[sflag:s12] =	ssyncadd.s32 $0xFFFFF800  }
0x21: {  	[hbm4b:s13+s4] =	stream.strided.scatter [tilespmem:s11], [sflag:$0x2], $0x800, s6, s4, $0x38;
	[tilespmem:$0xB80] =	vst v63  }
0x22: {  	_ =	swait.ge [sflag:s5], $0x800  }
0x23: {  	s14 =	sadd.s32 $0xFFFFFFFF, s31;
	[sflag:s5] =	ssyncset.done $0x0  }
.LBB2_1:
0x24: {  	p0 =	sne.s32 s14, $0x1;
	s14 =	sadd.s32 $0xFFFFFFFF, s14;
	[sflag:s5] =	ssyncadd.s32 $0xFFFFF800  }
0x25: {  	[tilespmem:s2], [sflag:$0x2] =	stream.strided.gather [hbm4b:s3+s4], $0x200, s6, s4, $0x38;
	[tilespmem:$0xB80] =	vst v63  }
0x26: {  	_ =	swait.ge [sflag:s5], $0x200  }
0x27: {  	[sflag:s5] =	ssyncset.done $0x0  }
0x28: {  	[sflag:s5] =	ssyncadd.s32 $0xFFFFFE00  }
0x29: {  	[tilespmem:s8], [sflag:$0x2] =	stream.linear.gather [hbm4b:s7+s2], $0x100, $0x38;
	[tilespmem:$0xB80] =	vst v63  }
0x2a: {  	_ =	swait.ge [sflag:s5], $0x100  }
0x2b: {  	[sflag:s5] =	ssyncset.done $0x0  }
0x2c: {  	[sflag:s5] =	ssyncadd.s32 $0xFFFFFF00  }
0x2d: {  	[tilespmem:v1+s9+$0x0] =	vst.idx.msk $0x3, v0  }
0x2e: {  	v4 =	vld.msk [tilespmem:$0x300], $0x3;
	_ =	sdelay $0x4  }
0x2f: {  	v5 =	vshll.u32 v4, $0x3  }
0x30: {  	v4 =	vand.u32 $0x7, v4;
	v5 =	vand.u32 $0xFFFFFFC0, v5  }
0x31: {  	v4 =	vor.u32 v4, v5  }
0x32: {  	v4 =	vperm.xlane v4, v2;
	_ =	sdelay $0x1  }
0x33: {  	v4 =	vadd.s32 v3, v4;
	_ =	sdelay $0x4  }
0x34: {  	[tilespmem:s11], [sflag:$0x1] =	stream.indirect_vreg.gather [hbm4b:s10+s2], $0x80, v4, vm0, $0xb8;
	[tilespmem:$0xB80] =	vst v63  }
0x35: {  	_ =	swait.ge [sflag:s12], $0x800  }
.Ltmp1:
0x36: {  	[sflag:s12] =	ssyncset.done $0x0;
	(pc) =	sbr.rel @p0 .LBB2_1-.Ltmp1, $4  }
0x37: {  	[sflag:s12] =	ssyncadd.s32 $0xFFFFF800  }
0x38: {  	[hbm4b:s13+s4] =	stream.strided.scatter [tilespmem:s11], [sflag:$0x2], $0x800, s6, s4, $0x38;
	[tilespmem:$0xB80] =	vst v63  }
0x39: {  	_ =	swait.ge [sflag:s5], $0x800  }
0x3a: {  	[sflag:s5] =	ssyncset.done $0x0  }
.LBB2_2:
0x3b: {  	[sflag:s5] =	ssyncadd.s32 $0xFFFFF800  }
0x3c: {  	_ =	sfence.sel $0x180000  }
0x3d: {  	[bflag:$0x0] =	sbarrier.arrive $0xFFFF  }
0x3e: {  	p0 =	sne.s32 s0, $0x0;
	_ =	strace $0x90000047  }
0x3f: {  	s0 =	sadd.s32 @!p0 $0x100000, s1;
	[bflag:$0x2] =	sbarrier.arrive $0xFFFF  }
0x40: {  	[sflag:s0] =	ssyncadd.tile.s32 @!p0 $0x1;
	_ =	shalt  }
.Lfunc_end2:
_tile_overlayer_lowered:
.L_overlay_start_2:
0x41: {  	(tag) =	ssettag $0x2  }
0x42: {  	s0 =	rddreg [dreg:$0x0];
	s2 =	stileid.u32  }
0x43: {  	s1 =	rddreg [dreg:$0x1];
	p0 =	sne.s32 s2, $0x0  }
0x44: {  	s3 =	rddreg [dreg:$0x2];
	[bflag:$0x3] =	sbarrier.arrive $0xFFFF;
	s2 =	simm.s32 @!p0 $0x1C02  }
0x45: {  	[timem:s3], [sflag:s2] =	dma.local @!p0 [hbm:s0], s1  }
0x46: {  	s0 =	simm.s32 @!p0 $0x2  }
0x47: {  	_ =	swait.ge @!p0 [sflag:s0], s1  }
0x48: {  	s1 =	ssub.s32 @!p0 $0x0, s1;
	[sflag:s0] =	ssyncset.done @!p0 $0x0  }
0x49: {  	[sflag:s0] =	ssyncadd.s32 @!p0 s1  }
0x4a: {  	[bflag:$0x3] =	sbarrier.arrive $0xFFFF  }
0x4b: {  	_ =	shalt  }

</sc_bundles>
